<compile_context>
chip_gen: v7x
topology: tpu7x:2x2x1
jax: 0.10.2.dev20260603
libtpu: 0.0.44.dev20260713+nightly
codegen_flags: <defaults>
</compile_context>

<pallas_src>
import functools
import jax
import jax.numpy as jnp
from jax import lax
from jax.experimental import pallas as pl
from jax.experimental.pallas import tpu as pltpu
from jax.experimental.pallas import tpu_sc as plsc

B, A, N = 1024, 32, 32
NW = 32
BPW = B // NW
L = 16


def _sc_body(lut_hbm, ptk_hbm, s_hbm, m_hbm, out_hbm,
             lut_v, ptk_v, s_v, m_v, y_v, res_v):
    wid = lax.axis_index("s") * 2 + lax.axis_index("c")
    base = wid * BPW

    pltpu.sync_copy(lut_hbm, lut_v)
    pltpu.sync_copy(ptk_hbm, ptk_v)
    pltpu.sync_copy(s_hbm.at[pl.ds(base * N, BPW * N)], s_v)
    pltpu.sync_copy(m_hbm.at[pl.ds(base * A, BPW * A)], m_v)

    lanes = lax.iota(jnp.int32, L)

    def b_loop(bl, _):
        srow = bl * N

        def g_loop(g, _):
            def k_loop(k, acc):
                pvec = ptk_v[pl.ds(k * (A * N) + g * L, L)]
                sk = plsc.load_gather(s_v, [jnp.full((L,), srow + k,
                                                     jnp.int32)])
                val = plsc.load_gather(lut_v, [(sk << 8) + pvec])
                return acc ^ val
            acc = lax.fori_loop(0, N, k_loop,
                                jnp.zeros((L,), jnp.int32))
            y_v[pl.ds(g * L, L)] = acc
            return 0
        lax.fori_loop(0, (A * N) // L, g_loop, 0)

        def j_loop(j, accs):
            a0, a1 = accs
            sj = plsc.load_gather(s_v, [jnp.full((L,), srow + j, jnp.int32)])
            y0 = plsc.load_gather(y_v, [lanes * N + j])
            y1 = plsc.load_gather(y_v, [(lanes + L) * N + j])
            a0 = a0 ^ plsc.load_gather(lut_v, [(y0 << 8) + sj])
            a1 = a1 ^ plsc.load_gather(lut_v, [(y1 << 8) + sj])
            return (a0, a1)
        z = jnp.zeros((L,), jnp.int32)
        c0, c1 = lax.fori_loop(0, N, j_loop, (z, z))

        m0 = m_v[pl.ds(bl * A, L)]
        m1 = m_v[pl.ds(bl * A + L, L)]
        tot = jnp.sum((c0 - m0) + (c1 - m1))
        res = jnp.maximum(1 - tot, 0)
        plsc.store_scatter(res_v, [jnp.full((L,), bl, jnp.int32)],
                           jnp.full((L,), res, jnp.int32),
                           mask=lanes == 0)
        return 0

    lax.fori_loop(0, BPW, b_loop, 0)
    pltpu.sync_copy(res_v, out_hbm.at[pl.ds(base, BPW)])


def kernel(m, s, P, lookuptable):
    lut_flat = lookuptable.reshape(256 * 256)
    ptk = jnp.transpose(P, (2, 0, 1)).reshape(N * A * N)
    s_flat = s.reshape(B * N)
    m_flat = m.reshape(B * A)

    mesh = plsc.VectorSubcoreMesh(core_axis_name="c", subcore_axis_name="s")
    run = pl.kernel(
        _sc_body,
        mesh=mesh,
        compiler_params=pltpu.CompilerParams(needs_layout_passes=False),
        out_type=jax.ShapeDtypeStruct((B,), jnp.int32),
        scratch_types=[
            pltpu.VMEM((256 * 256,), jnp.int32),
            pltpu.VMEM((N * A * N,), jnp.int32),
            pltpu.VMEM((BPW * N,), jnp.int32),
            pltpu.VMEM((BPW * A,), jnp.int32),
            pltpu.VMEM((A * N,), jnp.int32),
            pltpu.VMEM((BPW,), jnp.int32),
        ],
    )
    return run(lut_flat, ptk, s_flat, m_flat)

# --- scband reference (transcript-rebuilt; emitter-appended) ---
"""Pipeline reference for scband-verification-layer-49984829391047 (READ-ONLY COPY).

The authoritative reference and input builder live on the scoring server;
editing this copy changes nothing except your own understanding.
"""

import jax, jax.numpy as jnp
import numpy as np

F_SIZE = 256


def _gf256_mul_table():
    # GF(2^8) multiplication table using galois' default irreducible polynomial
    # x^8 + x^4 + x^3 + x^2 + 1 (0x11D), via vectorized Russian-peasant multiplication.
    a = np.tile(np.arange(256, dtype=np.uint32)[:, None], (1, 256))
    b = np.tile(np.arange(256, dtype=np.uint32)[None, :], (256, 1))
    p = np.zeros((256, 256), dtype=np.uint32)
    for _ in range(8):
        p ^= np.where((b & 1).astype(bool), a, 0)
        b >>= 1
        carry = (a & 0x80).astype(bool)
        a = (a << 1) & 0xFF
        a = np.where(carry, a ^ 0x1D, a)
    return p.astype(np.int32)


def _xor_reduce(x, axis):
    # faithful translation of numerical_bitwise_xor (sequential xor over one axis)
    x = jnp.moveaxis(x, axis, 0)
    out = x[0]
    for i in range(1, x.shape[0]):
        out = jnp.bitwise_xor(out, x[i])
    return out


def setup_inputs(seed: int = 0) -> dict:
    key = jax.random.key(seed)
    k1, k2, k3 = jax.random.split(key, 3)
    B, A, N = 1024, 32, 32
    m = jax.random.randint(k1, (B, A), 0, 256, dtype=jnp.int32)
    s = jax.random.randint(k2, (B, N), 0, 256, dtype=jnp.int32)
    P = jax.random.randint(k3, (A, N, N), 0, 256, dtype=jnp.int32)  # init arg P, GF(256) symbols
    lookuptable = jnp.asarray(_gf256_mul_table())  # built in __init__
    return {"m": m, "s": s, "P": P, "lookuptable": lookuptable}


def reference(m, s, P, lookuptable):
    # Batched (dim_nr == 2) path of VerificationLayer.forward.
    # mul1[b,i,j,k] = lut[s[b,k], P[i,j,k]]  (vmapped multiply_per_input over batch)
    mul1 = lookuptable[s[:, None, None, :], P[None, :, :, :]]  # [B, A, N, N]
    s_times_P = _xor_reduce(mul1, axis=3)                      # [B, A, N]
    mul2 = lookuptable[s_times_P, s[:, None, :]]               # [B, A, N]
    m_check = _xor_reduce(mul2, axis=2) - m                    # [B, A]
    return jax.nn.relu(1 - m_check.sum(-1))                    # [B]

if __name__ == "__main__":
    import jax
    _d = setup_inputs()
    print(jax.jit(kernel)(*tuple(_d.values())))

</pallas_src>

<mosaic_0001>
#map = affine_map<(d0, d1) -> (0)>
module attributes {stable_mosaic.version = 14 : i64} {
  func.func @_sc_body(%arg0: i32, %arg1: i32, %arg2: memref<65536xi32, #tpu.memory_space<hbm>>, %arg3: memref<32768xi32, #tpu.memory_space<hbm>>, %arg4: memref<32768xi32, #tpu.memory_space<hbm>>, %arg5: memref<32768xi32, #tpu.memory_space<hbm>>, %arg6: memref<1024xi32, #tpu.memory_space<hbm>>, %arg7: memref<65536xi32, #tpu.memory_space<vmem>>, %arg8: memref<32768xi32, #tpu.memory_space<vmem>>, %arg9: memref<1024xi32, #tpu.memory_space<vmem>>, %arg10: memref<1024xi32, #tpu.memory_space<vmem>>, %arg11: memref<1024xi32, #tpu.memory_space<vmem>>, %arg12: memref<32xi32, #tpu.memory_space<vmem>>) attributes {dimension_semantics = [#tpu.dimension_semantics<core_parallel>, #tpu.dimension_semantics<subcore_parallel>], iteration_bounds = array<i64: 2, 16>, scalar_prefetch = 0 : i64, scratch_operands = 6 : i64, tpu.core_type = #tpu.core_type<sc_vector_subcore>, window_params = [{transform_indices = #map}, {transform_indices = #map}, {transform_indices = #map}, {transform_indices = #map}, {transform_indices = #map}]} {
    %mul3A = arith.constant 2 : i32
    %mul3A_0 = arith.muli %arg1, %mul3A : i32
    %add3A = arith.addi %mul3A_0, %arg0 : i32
    %mul3A_1 = arith.constant 32 : i32
    %mul3A_2 = arith.muli %add3A, %mul3A_1 : i32
    "tpu.region"() ({
      %run_scoped3A = tpu.sem_alloc : memref<!tpu.dma_semaphore, #tpu.memory_space<semaphore_mem>>
      tpu.enqueue_dma source(%arg2 : memref<65536xi32, #tpu.memory_space<hbm>>) target(%arg7 : memref<65536xi32, #tpu.memory_space<vmem>>) target_semaphore(%run_scoped3A : memref<!tpu.dma_semaphore, #tpu.memory_space<semaphore_mem>>)
      tpu.wait_dma2 semaphore(%run_scoped3A : memref<!tpu.dma_semaphore, #tpu.memory_space<semaphore_mem>>) src(%arg2 : memref<65536xi32, #tpu.memory_space<hbm>>) dst(%arg7 : memref<65536xi32, #tpu.memory_space<vmem>>)
      tpu.yield
    }) : () -> ()
    "tpu.region"() ({
      %run_scoped3A = tpu.sem_alloc : memref<!tpu.dma_semaphore, #tpu.memory_space<semaphore_mem>>
      tpu.enqueue_dma source(%arg3 : memref<32768xi32, #tpu.memory_space<hbm>>) target(%arg8 : memref<32768xi32, #tpu.memory_space<vmem>>) target_semaphore(%run_scoped3A : memref<!tpu.dma_semaphore, #tpu.memory_space<semaphore_mem>>)
      tpu.wait_dma2 semaphore(%run_scoped3A : memref<!tpu.dma_semaphore, #tpu.memory_space<semaphore_mem>>) src(%arg3 : memref<32768xi32, #tpu.memory_space<hbm>>) dst(%arg8 : memref<32768xi32, #tpu.memory_space<vmem>>)
      tpu.yield
    }) : () -> ()
    %mul3A_3 = arith.constant 32 : i32
    %mul3A_4 = arith.muli %mul3A_2, %mul3A_3 : i32
    "tpu.region"() ({
      %run_scoped3A = tpu.sem_alloc : memref<!tpu.dma_semaphore, #tpu.memory_space<semaphore_mem>>
      %dma_start3A = tpu.memref_slice %arg4[%mul3A_4] : memref<32768xi32, #tpu.memory_space<hbm>> -> memref<1024xi32, #tpu.memory_space<hbm>>
      %dma_start3A_13 = tpu.memref_slice %arg4[%mul3A_4] : memref<32768xi32, #tpu.memory_space<hbm>> -> memref<1024xi32, #tpu.memory_space<hbm>>
      tpu.enqueue_dma source(%dma_start3A_13 : memref<1024xi32, #tpu.memory_space<hbm>>) target(%arg9 : memref<1024xi32, #tpu.memory_space<vmem>>) target_semaphore(%run_scoped3A : memref<!tpu.dma_semaphore, #tpu.memory_space<semaphore_mem>>)
      %dma_wait3A = tpu.memref_slice %arg4[%mul3A_4] : memref<32768xi32, #tpu.memory_space<hbm>> -> memref<1024xi32, #tpu.memory_space<hbm>>
      %dma_wait3A_14 = tpu.memref_slice %arg4[%mul3A_4] : memref<32768xi32, #tpu.memory_space<hbm>> -> memref<1024xi32, #tpu.memory_space<hbm>>
      tpu.wait_dma2 semaphore(%run_scoped3A : memref<!tpu.dma_semaphore, #tpu.memory_space<semaphore_mem>>) src(%dma_wait3A_14 : memref<1024xi32, #tpu.memory_space<hbm>>) dst(%arg9 : memref<1024xi32, #tpu.memory_space<vmem>>)
      tpu.yield
    }) : () -> ()
    %mul3A_5 = arith.constant 32 : i32
    %mul3A_6 = arith.muli %mul3A_2, %mul3A_5 : i32
    "tpu.region"() ({
      %run_scoped3A = tpu.sem_alloc : memref<!tpu.dma_semaphore, #tpu.memory_space<semaphore_mem>>
      %dma_start3A = tpu.memref_slice %arg5[%mul3A_6] : memref<32768xi32, #tpu.memory_space<hbm>> -> memref<1024xi32, #tpu.memory_space<hbm>>
      %dma_start3A_13 = tpu.memref_slice %arg5[%mul3A_6] : memref<32768xi32, #tpu.memory_space<hbm>> -> memref<1024xi32, #tpu.memory_space<hbm>>
      tpu.enqueue_dma source(%dma_start3A_13 : memref<1024xi32, #tpu.memory_space<hbm>>) target(%arg10 : memref<1024xi32, #tpu.memory_space<vmem>>) target_semaphore(%run_scoped3A : memref<!tpu.dma_semaphore, #tpu.memory_space<semaphore_mem>>)
      %dma_wait3A = tpu.memref_slice %arg5[%mul3A_6] : memref<32768xi32, #tpu.memory_space<hbm>> -> memref<1024xi32, #tpu.memory_space<hbm>>
      %dma_wait3A_14 = tpu.memref_slice %arg5[%mul3A_6] : memref<32768xi32, #tpu.memory_space<hbm>> -> memref<1024xi32, #tpu.memory_space<hbm>>
      tpu.wait_dma2 semaphore(%run_scoped3A : memref<!tpu.dma_semaphore, #tpu.memory_space<semaphore_mem>>) src(%dma_wait3A_14 : memref<1024xi32, #tpu.memory_space<hbm>>) dst(%arg10 : memref<1024xi32, #tpu.memory_space<vmem>>)
      tpu.yield
    }) : () -> ()
    %iota3A = tpu.iota {dimensions = array<i32: 0>} : vector<16xi32>
    %scan3A = arith.constant 0 : i32
    %scan3A_7 = arith.constant 0 : i32
    %scan3A_8 = arith.constant 32 : i32
    %scan3A_9 = arith.addi %scan3A_7, %scan3A_8 : i32
    %scan3A_10 = arith.constant 1 : i32
    %scan3A_11 = scf.for %scan3A_13 = %scan3A_7 to %scan3A_9 step %scan3A_10 iter_args(%scan3A_14 = %scan3A) -> (i32)  : i32 {
      %mul3A_15 = arith.constant 32 : i32
      %mul3A_16 = arith.muli %scan3A_13, %mul3A_15 : i32
      %scan3A_17 = arith.constant 0 : i32
      %scan3A_18 = arith.constant 0 : i32
      %scan3A_19 = arith.constant 64 : i32
      %scan3A_20 = arith.addi %scan3A_18, %scan3A_19 : i32
      %scan3A_21 = arith.constant 1 : i32
      %scan3A_22 = scf.for %scan3A_53 = %scan3A_18 to %scan3A_20 step %scan3A_21 iter_args(%scan3A_54 = %scan3A_17) -> (i32)  : i32 {
        %broadcast_in_dim3A_55 = arith.constant 0 : i32
        %broadcast_in_dim3A_56 = vector.broadcast %broadcast_in_dim3A_55 : i32 to vector<16xi32>
        %scan3A_57 = arith.constant 0 : i32
        %scan3A_58 = arith.constant 32 : i32
        %scan3A_59 = arith.addi %scan3A_57, %scan3A_58 : i32
        %scan3A_60 = arith.constant 1 : i32
        %scan3A_61 = scf.for %scan3A_67 = %scan3A_57 to %scan3A_59 step %scan3A_60 iter_args(%scan3A_68 = %broadcast_in_dim3A_56) -> (vector<16xi32>)  : i32 {
          %mul3A_69 = arith.constant 1024 : i32
          %mul3A_70 = arith.muli %scan3A_67, %mul3A_69 : i32
          %mul3A_71 = arith.constant 16 : i32
          %mul3A_72 = arith.muli %scan3A_53, %mul3A_71 : i32
          %add3A_73 = arith.addi %mul3A_70, %mul3A_72 : i32
          %get3A_74 = arith.index_cast %add3A_73 : i32 to index
          %get3A_75 = tpu.vector_load %arg8[%get3A_74] {strides = array<i32>} : memref<32768xi32, #tpu.memory_space<vmem>>, vector<16xi32>,
          %add3A_76 = arith.addi %mul3A_16, %scan3A_67 : i32
          %broadcast_in_dim3A_77 = vector.broadcast %add3A_76 : i32 to vector<16xi32>
          %gather3A = tpu.vector_load_idx %arg9[%broadcast_in_dim3A_77] : memref<1024xi32, #tpu.memory_space<vmem>>[vector<16xi32>], vector<16xi32>,
          %shift_left3A = arith.constant 8 : i32
          %shift_left3A_78 = vector.broadcast %shift_left3A : i32 to vector<16xi32>
          %shift_left3A_79 = arith.shli %gather3A, %shift_left3A_78 : vector<16xi32>
          %add3A_80 = arith.addi %shift_left3A_79, %get3A_75 : vector<16xi32>
          %gather3A_81 = tpu.vector_load_idx %arg7[%add3A_80] : memref<65536xi32, #tpu.memory_space<vmem>>[vector<16xi32>], vector<16xi32>,
          %xor3A = arith.xori %scan3A_68, %gather3A_81 : vector<16xi32>
          scf.yield %xor3A : vector<16xi32>
        }
        %scan3A_62 = arith.constant 32 : i32
        %mul3A_63 = arith.constant 16 : i32
        %mul3A_64 = arith.muli %scan3A_53, %mul3A_63 : i32
        %swap3A = arith.index_cast %mul3A_64 : i32 to index
        %swap3A_65 = tpu.vector_load %arg11[%swap3A] {strides = array<i32>} : memref<1024xi32, #tpu.memory_space<vmem>>, vector<16xi32>,
        tpu.vector_store %arg11[%swap3A], %scan3A_61 {strides = array<i32>} : memref<1024xi32, #tpu.memory_space<vmem>>, vector<16xi32>,
        %scan3A_66 = arith.constant 0 : i32
        scf.yield %scan3A_66 : i32
      }
      %scan3A_23 = arith.constant 64 : i32
      %broadcast_in_dim3A = arith.constant 0 : i32
      %broadcast_in_dim3A_24 = vector.broadcast %broadcast_in_dim3A : i32 to vector<16xi32>
      %scan3A_25 = arith.constant 0 : i32
      %scan3A_26 = arith.constant 32 : i32
      %scan3A_27 = arith.addi %scan3A_25, %scan3A_26 : i32
      %scan3A_28 = arith.constant 1 : i32
      %scan3A_29:2 = scf.for %scan3A_53 = %scan3A_25 to %scan3A_27 step %scan3A_28 iter_args(%scan3A_54 = %broadcast_in_dim3A_24, %scan3A_55 = %broadcast_in_dim3A_24) -> (vector<16xi32>, vector<16xi32>)  : i32 {
        %add3A_56 = arith.addi %mul3A_16, %scan3A_53 : i32
        %broadcast_in_dim3A_57 = vector.broadcast %add3A_56 : i32 to vector<16xi32>
        %gather3A = tpu.vector_load_idx %arg9[%broadcast_in_dim3A_57] : memref<1024xi32, #tpu.memory_space<vmem>>[vector<16xi32>], vector<16xi32>,
        %mul3A_58 = arith.constant 32 : i32
        %mul3A_59 = vector.broadcast %mul3A_58 : i32 to vector<16xi32>
        %mul3A_60 = arith.muli %iota3A, %mul3A_59 : vector<16xi32>
        %add3A_61 = vector.broadcast %scan3A_53 : i32 to vector<16xi32>
        %add3A_62 = arith.addi %mul3A_60, %add3A_61 : vector<16xi32>
        %gather3A_63 = tpu.vector_load_idx %arg11[%add3A_62] : memref<1024xi32, #tpu.memory_space<vmem>>[vector<16xi32>], vector<16xi32>,
        %add3A_64 = arith.constant 16 : i32
        %add3A_65 = vector.broadcast %add3A_64 : i32 to vector<16xi32>
        %add3A_66 = arith.addi %iota3A, %add3A_65 : vector<16xi32>
        %mul3A_67 = arith.constant 32 : i32
        %mul3A_68 = vector.broadcast %mul3A_67 : i32 to vector<16xi32>
        %mul3A_69 = arith.muli %add3A_66, %mul3A_68 : vector<16xi32>
        %add3A_70 = vector.broadcast %scan3A_53 : i32 to vector<16xi32>
        %add3A_71 = arith.addi %mul3A_69, %add3A_70 : vector<16xi32>
        %gather3A_72 = tpu.vector_load_idx %arg11[%add3A_71] : memref<1024xi32, #tpu.memory_space<vmem>>[vector<16xi32>], vector<16xi32>,
        %shift_left3A = arith.constant 8 : i32
        %shift_left3A_73 = vector.broadcast %shift_left3A : i32 to vector<16xi32>
        %shift_left3A_74 = arith.shli %gather3A_63, %shift_left3A_73 : vector<16xi32>
        %add3A_75 = arith.addi %shift_left3A_74, %gather3A : vector<16xi32>
        %gather3A_76 = tpu.vector_load_idx %arg7[%add3A_75] : memref<65536xi32, #tpu.memory_space<vmem>>[vector<16xi32>], vector<16xi32>,
        %xor3A = arith.xori %scan3A_54, %gather3A_76 : vector<16xi32>
        %shift_left3A_77 = arith.constant 8 : i32
        %shift_left3A_78 = vector.broadcast %shift_left3A_77 : i32 to vector<16xi32>
        %shift_left3A_79 = arith.shli %gather3A_72, %shift_left3A_78 : vector<16xi32>
        %add3A_80 = arith.addi %shift_left3A_79, %gather3A : vector<16xi32>
        %gather3A_81 = tpu.vector_load_idx %arg7[%add3A_80] : memref<65536xi32, #tpu.memory_space<vmem>>[vector<16xi32>], vector<16xi32>,
        %xor3A_82 = arith.xori %scan3A_55, %gather3A_81 : vector<16xi32>
        scf.yield %xor3A, %xor3A_82 : vector<16xi32>, vector<16xi32>
      }
      %scan3A_30 = arith.constant 32 : i32
      %mul3A_31 = arith.constant 32 : i32
      %mul3A_32 = arith.muli %scan3A_13, %mul3A_31 : i32
      %get3A = arith.index_cast %mul3A_32 : i32 to index
      %get3A_33 = tpu.vector_load %arg10[%get3A] {strides = array<i32>} : memref<1024xi32, #tpu.memory_space<vmem>>, vector<16xi32>,
      %mul3A_34 = arith.constant 32 : i32
      %mul3A_35 = arith.muli %scan3A_13, %mul3A_34 : i32
      %add3A_36 = arith.constant 16 : i32
      %add3A_37 = arith.addi %mul3A_35, %add3A_36 : i32
      %get3A_38 = arith.index_cast %add3A_37 : i32 to index
      %get3A_39 = tpu.vector_load %arg10[%get3A_38] {strides = array<i32>} : memref<1024xi32, #tpu.memory_space<vmem>>, vector<16xi32>,
      %sub3A = arith.subi %scan3A_29#0, %get3A_33 : vector<16xi32>
      %sub3A_40 = arith.subi %scan3A_29#1, %get3A_39 : vector<16xi32>
      %add3A_41 = arith.addi %sub3A, %sub3A_40 : vector<16xi32>
      %reduce_sum3A = arith.constant true
      %reduce_sum3A_42 = vector.broadcast %reduce_sum3A : i1 to vector<16xi1>
      %reduce_sum3A_43 = tpu.scan <sum>, %add3A_41 masked %reduce_sum3A_42 : vector<16xi32>, vector<16xi1> -> vector<16xi32>
      %reduce_sum3A_44 = vector.extract %reduce_sum3A_43[15] : i32 from vector<16xi32>
      %sub3A_45 = arith.constant 1 : i32
      %sub3A_46 = arith.subi %sub3A_45, %reduce_sum3A_44 : i32
      %max3A = arith.constant 0 : i32
      %max3A_47 = arith.maxsi %sub3A_46, %max3A : i32
      %broadcast_in_dim3A_48 = vector.broadcast %scan3A_13 : i32 to vector<16xi32>
      %broadcast_in_dim3A_49 = vector.broadcast %max3A_47 : i32 to vector<16xi32>
      %eq3A = arith.constant 0 : i32
      %eq3A_50 = vector.broadcast %eq3A : i32 to vector<16xi32>
      %eq3A_51 = arith.cmpi eq, %iota3A, %eq3A_50 : vector<16xi32>
      tpu.vector_store_idx %arg12[%broadcast_in_dim3A_48], %broadcast_in_dim3A_49 masked %eq3A_51 : memref<32xi32, #tpu.memory_space<vmem>>[vector<16xi32>], vector<16xi32>, vector<16xi1>
      %scan3A_52 = arith.constant 0 : i32
      scf.yield %scan3A_52 : i32
    }
    %scan3A_12 = arith.constant 32 : i32
    "tpu.region"() ({
      %run_scoped3A = tpu.sem_alloc : memref<!tpu.dma_semaphore, #tpu.memory_space<semaphore_mem>>
      %dma_start3A = tpu.memref_slice %arg6[%mul3A_2] : memref<1024xi32, #tpu.memory_space<hbm>> -> memref<32xi32, #tpu.memory_space<hbm>>
      %dma_start3A_13 = tpu.memref_slice %arg6[%mul3A_2] : memref<1024xi32, #tpu.memory_space<hbm>> -> memref<32xi32, #tpu.memory_space<hbm>>
      tpu.enqueue_dma source(%arg12 : memref<32xi32, #tpu.memory_space<vmem>>) target(%dma_start3A_13 : memref<32xi32, #tpu.memory_space<hbm>>) target_semaphore(%run_scoped3A : memref<!tpu.dma_semaphore, #tpu.memory_space<semaphore_mem>>)
      %dma_wait3A = tpu.memref_slice %arg6[%mul3A_2] : memref<1024xi32, #tpu.memory_space<hbm>> -> memref<32xi32, #tpu.memory_space<hbm>>
      %dma_wait3A_14 = tpu.memref_slice %arg6[%mul3A_2] : memref<1024xi32, #tpu.memory_space<hbm>> -> memref<32xi32, #tpu.memory_space<hbm>>
      tpu.wait_dma2 semaphore(%run_scoped3A : memref<!tpu.dma_semaphore, #tpu.memory_space<semaphore_mem>>) src(%arg12 : memref<32xi32, #tpu.memory_space<vmem>>) dst(%dma_wait3A_14 : memref<32xi32, #tpu.memory_space<hbm>>)
      tpu.yield
    }) : () -> ()
    return
  }
}

</mosaic_0001>

<sc_bundles>
// kernel: kernel.3.cloned.1.call-start
scs
__scs_entry_jumppad:
0x0: {  	(pc) =	sbr.rel $0x88, $3  }
0x1: {  	(tag) =	ssettag $0x0;
	lr =	simm.s32 $0x1  }
0x2: {  	[smem:$0x3F9D] =	sst lr;
	_ =	strace $0xD0000000  }
0x3: {  	_ = 	snop  }
0x4: {  	_ = 	snop  }
0x5: {  	_ = 	snop  }
0x6: {  	_ = 	snop  }
0x7: {  	_ = 	snop  }
__scs_overlays_trampoline_lowered:
0x8: {  	[smem:$0x3FAC] =	sst s0  }
0x9: {  	[smem:$0x3FAD] =	sst s1  }
0xa: {  	[smem:$0x3FAE] =	sst s2  }
0xb: {  	[smem:$0x3FAF] =	sst s3  }
0xc: {  	[smem:$0x3FB0] =	sst s4  }
0xd: {  	[smem:$0x3FB1] =	sst s5  }
0xe: {  	[smem:$0x3FB2] =	sst s6  }
0xf: {  	[smem:$0x3FB3] =	sst s7  }
0x10: {  	[smem:$0x3FB4] =	sst s8  }
0x11: {  	[smem:$0x3FB5] =	sst s9;
	s0 =	simm.s32 @!p0 $0x0  }
0x12: {  	s1 =	sld [smem:$0x3F9B];
	s0 =	simm.s32 @p0 $0x1  }
0x13: {  	[smem:$0x3FB6] =	sst s0;
	s0 =	simm.s32 @!p1 $0x0  }
0x14: {  	s2 =	sld [smem:$0x3F9A];
	s0 =	simm.s32 @p1 $0x1  }
0x15: {  	[smem:$0x3FB7] =	sst s0;
	s0 =	simm.s32 @!p2 $0x0  }
0x16: {  	s3 =	sld [smem:$0x3FDB];
	s0 =	simm.s32 @p2 $0x1  }
0x17: {  	s4 =	simm.s32 $0x1BF5;
	[smem:$0x3FB9] =	sst s0  }
0x18: {  	s0 =	sld [smem:$0x3F9C];
	_ =	swait.ge [sflag:s4], $0x0  }
0x19: {  	s7 =	sld [smem:$0x3F9D]  }
0x1a: {  	s8 =	sadd.s32 $0xFFFFE003, lr  }
0x1b: {  	s9 =	sadd.s32 $0xFFFFFEF7, lr;
	s5 =	simm.s32 $0xFFFFFFFF;
	p2 =	slt.u32 s8, $0xFFFFF086  }
0x1c: {  	p1 =	slt.u32 s9, $0xF7A;
	s5 =	simm.s32 @!p2 $0x0  }
0x1d: {  	s5 =	simm.s32 @p1 $0x1;
	p0 =	seq.s32 s7, s2  }
0x1e: {  	s7 =	smul.u32 @!p0 $0xF7A, s2;
	p2 =	seq.s32 @!p0 s5, $0x0  }
0x1f: {  	s9 =	smul.u32 $0xF7A, s1;
	s8 =	simm.s32 @!p0 $0x1BF5;
	p2 =	por !p2, p0  }
0x20: {  	[sflag:s8] =	ssyncset.s32 @!p0 $0xFFFFF086;
	s6 =	sadd.s32 @!p0 s3, s7;
	s7 =	simm.s32 @!p0 $0x108  }
0x21: {  	s3 =	sadd.s32 s3, s9;
	s6 =	sadd.s32 @!p0 $0x88, s6;
	s7 =	simm.s32 @p2 $0x1082  }
0x22: {  	[simem:s7], [sflag:s8] =	dma.local @!p0 [hbm:s6], $0xF7A  }
0x23: {  	s9 =	sor.u32 $0xD0000000, s2;
	s6 =	simm.s32 $0x108;
	_ =	swait.ge @!p0 [sflag:s8], $0x0  }
0x24: {  	s3 =	sadd.s32 $0x88, s3;
	s6 =	simm.s32 @!p1 $0x1082;
	[sflag:s4] =	ssyncset.s32 $0xFFFFF086  }
0x25: {  	[simem:s6], [sflag:s4] =	dma.local [hbm:s3], $0xF7A  }
0x26: {  	[smem:$0x3F9D] =	sst s1;
	(tag) =	ssettag s2;
	_ =	strace s9  }
0x27: {  	s1 =	sld [smem:$0x3FAD]  }
0x28: {  	s2 =	sld [smem:$0x3FAE]  }
0x29: {  	s4 =	sld [smem:$0x3FB0]  }
0x2a: {  	p0 =	seq.s32 s5, $0x0;
	s5 =	sld [smem:$0x3FB1]  }
0x2b: {  	s6 =	sld [smem:$0x3FB2]  }
0x2c: {  	s7 =	sld [smem:$0x3FB3]  }
0x2d: {  	s3 =	simm.s32 $0x108;
	s8 =	sld [smem:$0x3FB4]  }
0x2e: {  	s3 =	simm.s32 @!p0 $0x1082;
	s9 =	sld [smem:$0x3FB5]  }
0x2f: {  	lr =	sadd.s32 s0, s3;
	s0 =	sld [smem:$0x3FAC]  }
0x30: {  	s3 =	sld [smem:$0x3FAF]  }
0x31: {  	[smem:$0x3FB8] =	sst s10  }
0x32: {  	s10 =	sld [smem:$0x3FB6];
	_ =	sdelay $0x3  }
0x33: {  	p0 =	seq.s32 s10, $0x1;
	s10 =	sld [smem:$0x3FB8];
	_ =	sdelay $0x3  }
0x34: {  	[smem:$0x3FB8] =	sst s10  }
0x35: {  	s10 =	sld [smem:$0x3FB7];
	_ =	sdelay $0x3  }
0x36: {  	p1 =	seq.s32 s10, $0x1;
	s10 =	sld [smem:$0x3FB8];
	_ =	sdelay $0x3  }
0x37: {  	[smem:$0x3FB8] =	sst s10  }
0x38: {  	s10 =	sld [smem:$0x3FB9]  }
0x39: {  	_ = 	snop;
	(pc) =	sbr.ind lr, $3  }
0x3a: {  	_ = 	snop  }
0x3b: {  	_ = 	snop  }
0x3c: {  	p2 =	seq.s32 s10, $0x1;
	s10 =	sld [smem:$0x3FB8]  }
0x3d: {  	_ =	shalt  }
0x3e: {  	_ =	shalt  }
0x3f: {  	_ =	shalt  }
0x40: {  	_ =	shalt  }
0x41: {  	_ =	shalt  }
0x42: {  	_ =	shalt  }
0x43: {  	_ =	shalt  }
0x44: {  	_ =	shalt  }
0x45: {  	_ =	shalt  }
0x46: {  	_ =	shalt  }
0x47: {  	_ =	shalt  }
0x48: {  	_ =	shalt  }
0x49: {  	_ =	shalt  }
0x4a: {  	_ =	shalt  }
0x4b: {  	_ =	shalt  }
0x4c: {  	_ =	shalt  }
0x4d: {  	_ =	shalt  }
0x4e: {  	_ =	shalt  }
0x4f: {  	_ =	shalt  }
0x50: {  	_ =	shalt  }
0x51: {  	_ =	shalt  }
0x52: {  	_ =	shalt  }
0x53: {  	_ =	shalt  }
0x54: {  	_ =	shalt  }
0x55: {  	_ =	shalt  }
0x56: {  	_ =	shalt  }
0x57: {  	_ =	shalt  }
0x58: {  	_ =	shalt  }
0x59: {  	_ =	shalt  }
0x5a: {  	_ =	shalt  }
0x5b: {  	_ =	shalt  }
0x5c: {  	_ =	shalt  }
0x5d: {  	_ =	shalt  }
0x5e: {  	_ =	shalt  }
0x5f: {  	_ =	shalt  }
0x60: {  	_ =	shalt  }
0x61: {  	_ =	shalt  }
0x62: {  	_ =	shalt  }
0x63: {  	_ =	shalt  }
0x64: {  	_ =	shalt  }
0x65: {  	_ =	shalt  }
0x66: {  	_ =	shalt  }
0x67: {  	_ =	shalt  }
0x68: {  	_ =	shalt  }
0x69: {  	_ =	shalt  }
0x6a: {  	_ =	shalt  }
0x6b: {  	_ =	shalt  }
0x6c: {  	_ =	shalt  }
0x6d: {  	_ =	shalt  }
0x6e: {  	_ =	shalt  }
0x6f: {  	_ =	shalt  }
0x70: {  	_ =	shalt  }
0x71: {  	_ =	shalt  }
0x72: {  	_ =	shalt  }
0x73: {  	_ =	shalt  }
0x74: {  	_ =	shalt  }
0x75: {  	_ =	shalt  }
0x76: {  	_ =	shalt  }
0x77: {  	_ =	shalt  }
0x78: {  	_ =	shalt  }
0x79: {  	_ =	shalt  }
0x7a: {  	_ =	shalt  }
0x7b: {  	_ =	shalt  }
0x7c: {  	_ =	shalt  }
0x7d: {  	_ =	shalt  }
0x7e: {  	_ =	shalt  }
0x7f: {  	_ =	shalt  }
0x80: {  	_ =	shalt  }
0x81: {  	_ =	shalt  }
0x82: {  	_ =	shalt  }
0x83: {  	_ =	shalt  }
0x84: {  	_ =	shalt  }
0x85: {  	_ =	shalt  }
0x86: {  	_ =	shalt  }
0x87: {  	_ =	shalt  }
.Lfunc_end0:
.L_simem_size_0:
called_computation_lowered:
.L_overlay_start_0:
0x88: {  	s2 =	sld [smem:$0x3FD9]  }
0x89: {  	s3 =	sld [smem:$0x3FFE];
	_ =	sdelay $0x1  }
0x8a: {  	s1 =	srdreg.scid  }
0x8b: {  	s0 =	sand.u32 $0x1, s1  }
0x8c: {  	s17 =	sshll.u32 s0, $0xA;
	s2 =	sadd.s32 s3, s2  }
0x8d: {  	s2 =	sadd.s32 s2, s17  }
0x8e: {  	[smem:$0x3FC4] =	sst s2  }
0x8f: {  	_ = 	snop  }
0x90: {  	s2 =	sld [smem:$0x3FD0];
	(tm) =	ssettm $0x1  }
0x91: {  	s18 =	sld [smem:$0x3FFB];
	_ =	sdelay $0x3  }
0x92: {  	_ =	strace s18  }
0x93: {  	s3 =	sld [smem:$0x3FFC];
	_ =	sdelay $0x3  }
0x94: {  	_ =	strace s3  }
0x95: {  	s3 =	sld [smem:$0x3FFD];
	_ =	sdelay $0x3  }
0x96: {  	_ =	strace s3  }
0x97: {  	_ =	strace $0x8FFFFFFF  }
0x98: {  	s19 =	sld [smem:$0x3FDB];
	_ =	sdelay $0x1  }
0x99: {  	s4 =	simm.s32 $_scs_section_size  }
0x9a: {  	s5 =	simm.s32 $_size__tile_overlayer_lowered;
	s6 =	simm.s32 $_tile_overlayer_lowered  }
0x9b: {  	s22 =	simm.s32 $0x1BFF;
	s21 =	sshll.u32 s6, $0x1;
	s3 =	sadd.s32 s4, s19  }
0x9c: {  	s7 =	simm.s32 $0x0;
	s20 =	sshll.u32 s5, $0x1;
	s5 =	sadd.s32 s21, s3  }
0x9d: {  	[timem:s7], [sflag:s22] =	dma.local [hbm:s5], s20  }
0x9e: {  	_ =	swait.ge [sflag:s22], s20  }
0x9f: {  	s4 =	ssub.s32 $0x0, s20;
	[sflag:s22] =	ssyncset.done $0x0  }
0xa0: {  	[sflag:s22] =	ssyncadd.s32 s4;
	_ =	sdelay $0x1  }
0xa1: {  	s23 =	simm.s32 $0x1B8B  }
0xa2: {  	_ =	swait.ge [sflag:s23], $0x1  }
0xa3: {  	[sflag:s23] =	ssyncset.done $0x0  }
0xa4: {  	s25 =	simm.s32 $0x1B8E;
	s24 =	sld [smem:$0x3FFE];
	[sflag:s23] =	ssyncadd.s32 $0xFFFFFFFF  }
0xa5: {  	s26 =	simm.s32 $execute0_lowered;
	[smem:$0x3FD2] =	sst s25  }
0xa6: {  	s5 =	sshll.u32 s26, $0x1;
	_ =	strace $0x80000046;
	[dreg:$0x1] =	wrdreg $0xFFFFFFFF  }
0xa7: {  	s28 =	simm.s32 $_size_execute0_lowered;
	s3 =	sadd.s32 s3, s5;
	[dreg:$0x0] =	wrdreg $0x0  }
0xa8: {  	s5 =	sshll.u32 s28, $0x1;
	[dreg:$0x2] =	wrdreg s3  }
0xa9: {  	[dreg:$0x3] =	wrdreg s5  }
0xaa: {  	[dreg:$0x4] =	wrdreg $0xC0  }
0xab: {  	_ =	task [dreg:s7], $0x5FFFF  }
0xac: {  	[dreg:$0x1] =	wrdreg $0xFFFFFFFF  }
0xad: {  	[dreg:$0x0] =	wrdreg $0x60  }
0xae: {  	[dreg:$0x2] =	wrdreg s24  }
0xaf: {  	[dreg:$0x3] =	wrdreg s2  }
0xb0: {  	[dreg:$0x4] =	wrdreg $0x9  }
0xb1: {  	_ =	task.clear_ibuf [dreg:s7], $0x5FFFF;
	_ =	strace $0x90000046  }
0xb2: {  	s29 =	simm.s32 $0x9;
	_ =	strace $0x80000048  }
0xb3: {  	_ =	swait.ge [sflag:s29], $0x1  }
0xb4: {  	[sflag:s29] =	ssyncadd.s32 $0xFFFFFFFF  }
0xb5: {  	_ =	strace $0x90000048  }
0xb6: {  	_ =	sfence  }
0xb7: {  	s30 =	sld [smem:$0x0];
	_ =	sdelay $0x2  }
0xb8: {  	s31 =	sshll.u32 s1, $0xD;
	s1 =	sshrl.u32 s1, $0x2  }
0xb9: {  	s3 =	sand.u32 $0x4000, s31;
	s1 =	sadd.s32 s1, s30  }
0xba: {  	s0 =	sor.u32 s3, s0;
	s1 =	sshll.u32 s1, $0x11  }
0xbb: {  	s0 =	sor.u32 s1, s0  }
0xbc: {  	s0 =	sadd.s32 $0x8F2B, s0  }
0xbd: {  	[sflag:s0] =	ssyncadd.remote.s32 $0x1  }
0xbe: {  	_ =	sfence.sel $0xFFFF  }
0xbf: {  	[dreg:$0x0] =	wrdreg $0xFFFFFFFF;
	(pc) =	sbr.abs _section_cstart, $3  }
0xc0: {  	[dreg:$0x1] =	wrdreg $0xFFFFFFFF  }
0xc1: {  	_ =	task.clear_ibuf [dreg:s7], $0x2FFFF;
	_ =	strace $0x9FFFFFFF  }
0xc2: {  	(tm) =	ssettm $0x7FFFFFFF  }
0xc3: {  	_ =	shalt  }
tec
execute0_lowered:
.L_overlay_start_1:
0x0: {  	(tag) =	ssettag $0x1  }
0x1: {  	s5 =	rddreg [dreg:$0x0]  }
0x2: {  	s7 =	rddreg [dreg:$0x1]  }
0x3: {  	s0 =	rddreg [dreg:$0x2]  }
0x4: {  	s2 =	simm.s32 $0x0;
	s3 =	srdreg.scid;
	s1 =	stileid.u32  }
0x5: {  	s11 =	simm.s32 $0x18000;
	s12 =	simm.s32 $0x18400;
	s13 =	simm.s32 $0x18800  }
0x6: {  	s14 =	simm.s32 $0x18C00;
	s15 =	simm.s32 $0x0;
	[smem:$0x7FF] =	sst s2  }
0x7: {  	s3 =	sand.u32 $0x1, s3;
	s4 =	sshll.u32 s1, $0x1;
	_ =	strace $0x80000047  }
0x8: {  	s8 =	sor.u32 s3, s4;
	s6 =	ssub.s32 $0x2, s3;
	s3 =	sadd.s32 $0x3A00, s5  }
0x9: {  	v0 =	vlaneseq.u32;
	s4 =	sadd.s32 $0xA00, s5;
	s9 =	sshll.u32 s8, $0x7;
	s10 =	sshrl.u32 s6, $0x1  }
0xa: {  	v0 =	vmul.u32 $0x20, v0;
	s8 =	sshll.u32 s8, $0x2;
	s9 =	sadd.s32 s9, s5;
	s10 =	ssub.s32 s6, s10  }
0xb: {  	s7 =	sadd.s32 s7, s8;
	s5 =	sadd.s32 $0x1A00, s9;
	s6 =	sadd.s32 $0x2A00, s9  }
0xc: {  	v1 =	vor.u32 $0x200, v0;
	s8 =	smax.u32 s10, $0x1;
	s9 =	simm.s32 $0x1;
	s10 =	simm.s32 $0x10000  }
.LBB2_1:
0xd: {  	[tilespmem:s2], [sflag:$0x1] =	stream.linear.gather [hbm4b:s3+s2], $0x10000, $0x38;
	[tilespmem:$0x18C80] =	vst v63  }
0xe: {  	_ =	swait.ge [sflag:s9], $0x10000  }
0xf: {  	[sflag:s9] =	ssyncset.done $0x0  }
0x10: {  	[sflag:s9] =	ssyncadd.s32 $0xFFFF0000  }
0x11: {  	[tilespmem:s10], [sflag:$0x1] =	stream.linear.gather [hbm4b:s4+s2], $0x8000, $0x38;
	[tilespmem:$0x18C80] =	vst v63  }
0x12: {  	_ =	swait.ge [sflag:s9], $0x8000  }
0x13: {  	[sflag:s9] =	ssyncset.done $0x0  }
0x14: {  	[sflag:s9] =	ssyncadd.s32 $0xFFFF8000  }
0x15: {  	[tilespmem:s11], [sflag:$0x1] =	stream.linear.gather [hbm4b:s5+s2], $0x400, $0x38;
	[tilespmem:$0x18C80] =	vst v63  }
0x16: {  	_ =	swait.ge [sflag:s9], $0x400  }
0x17: {  	[sflag:s9] =	ssyncset.done $0x0  }
0x18: {  	[sflag:s9] =	ssyncadd.s32 $0xFFFFFC00  }
0x19: {  	[tilespmem:s12], [sflag:$0x1] =	stream.linear.gather [hbm4b:s6+s2], $0x400, $0x38;
	[tilespmem:$0x18C80] =	vst v63  }
0x1a: {  	_ =	swait.ge [sflag:s9], $0x400  }
0x1b: {  	[sflag:s9] =	ssyncset.done $0x0  }
0x1c: {  	s16 =	simm.s32 $0x0;
	s17 =	simm.s32 $0x0;
	[sflag:s9] =	ssyncadd.s32 $0xFFFFFC00  }
.LBB2_2:
0x1d: {  	s18 =	sshll.u32 s17, $0x5  }
0x1e: {  	s19 =	simm.s32 $0x0;
	s20 =	simm.s32 $0x0;
	s21 =	simm.s32 $0x0  }
.LBB2_3:
0x1f: {  	s22 =	sshll.u32 s20, $0x2;
	s23 =	sand.u32 $0x7, s19  }
0x20: {  	s22 =	sand.u32 $0xFFFFFE00, s22;
	s23 =	sshll.u32 s23, $0x6  }
0x21: {  	s22 =	sor.u32 s23, s22  }
0x22: {  	s22 =	sshrl.u32 s22, $0x2  }
0x23: {  	v3 =	vmov s16;
	s22 =	sadd.s32 $0x10000, s22  }
0x24: {  	v2 =	vmov s22;
	_ =	sdelay $0x3  }
0x25: {  	s26 =	simm.s32 $0x0;
	s28 =	sadd.s32 $0x1, s16;
	v3 =	vld.idx.msk [tilespmem:v3+s11+$0x0], $0xffff  }
0x26: {  	v5 =	vmov s28;
	v4 =	vld.idx.msk [tilespmem:v2+s26+$0x0 ss:$0x1], $0xffff;
	_ =	sdelay $0x3  }
0x27: {  	s29 =	sadd.s32 $0x1, s28;
	v3 =	vshll.u32 v3, $0x8  }
0x28: {  	s30 =	simm.s32 $0x400;
	v6 =	vmov s29;
	v3 =	vadd.s32 v4, v3;
	v4 =	vld.idx.msk [tilespmem:v5+s11+$0x0], $0xffff  }
0x29: {  	v7 =	vld.idx.msk [tilespmem:v2+s30+$0x0 ss:$0x1], $0xffff;
	_ =	sdelay $0x2  }
0x2a: {  	s24 =	sadd.s32 $0x1, s29  }
0x2b: {  	v9 =	vmov s24;
	v8 =	vld.idx.msk [tilespmem:v6+s11+$0x0], $0xffff;
	v6 =	vshll.u32 v4, $0x8  }
0x2c: {  	s31 =	simm.s32 $0x800;
	v3 =	vld.idx.msk [tilespmem:v3+s2+$0x0], $0xffff;
	v7 =	vadd.s32 v7, v6  }
0x2d: {  	v5 =	vld.idx.msk [tilespmem:v2+s31+$0x0 ss:$0x1], $0xffff;
	_ =	sdelay $0x2  }
0x2e: {  	s23 =	simm.s32 $0x3000;
	s24 =	sadd.s32 $0x1, s24;
	s22 =	simm.s32 $0x4000;
	v4 =	vimm.s32 $0x0;
	v6 =	vld.idx.msk [tilespmem:v9+s11+$0x0], $0xffff  }
.LBB2_4:
0x2f: {  	v9 =	vmov s24;
	s25 =	sshra.s32 s23, $0x2;
	v8 =	vshll.u32 v8, $0x8;
	v4 =	vxor.u32 v4, v3;
	v3 =	vld.idx.msk [tilespmem:v7+s2+$0x0], $0xffff;
	s23 =	smov.u32 s22;
	p0 =	sne.s32 s22, $0x1F000  }
.Ltmp0:
0x30: {  	s22 =	sadd.s32 $0x1000, s22;
	v7 =	vadd.s32 v5, v8;
	v5 =	vld.idx.msk [tilespmem:v2+s25+$0x0 ss:$0x1], $0xffff;
	(pc) =	sbr.rel @p0 .LBB2_4-.Ltmp0, $2  }
0x31: {  	_ =	sdelay $0x2  }
0x32: {  	s24 =	sadd.s32 $0x1, s24;
	v8 =	vmov v6;
	v6 =	vld.idx.msk [tilespmem:v9+s11+$0x0], $0xffff  }
0x33: {  	_ =	sdelay $0x2  }
0x34: {  	s22 =	sshra.s32 s23, $0x2  }
0x35: {  	v2 =	vld.idx.msk [tilespmem:v2+s22+$0x0 ss:$0x1], $0xffff;
	_ =	sdelay $0x2  }
0x36: {  	v8 =	vshll.u32 v8, $0x8  }
0x37: {  	v5 =	vadd.s32 v5, v8;
	v6 =	vshll.u32 v6, $0x8  }
0x38: {  	v2 =	vadd.s32 v2, v6;
	_ =	sdelay $0x2  }
0x39: {  	v63 =	vld.idx.msk [tilespmem:v7+s2+$0x0], $0xffff  }
0x3a: {  	v5 =	vld.idx.msk [tilespmem:v5+s2+$0x0], $0xffff  }
0x3b: {  	s31 =	sshll.u32 s21, $0x4;
	s21 =	sadd.s32 $0x1, s21;
	v2 =	vld.idx.msk [tilespmem:v2+s2+$0x0], $0xffff  }
0x3c: {  	p0 =	sne.s32 s21, $0x40  }
.Ltmp1:
0x3d: {  	v3 =	vxor.u32 v4, v3;
	(pc) =	sbr.rel @p0 .LBB2_3-.Ltmp1, $4  }
0x3e: {  	v3 =	vxor.u32 v3, v63  }
0x3f: {  	v3 =	vxor.u32 v3, v5  }
0x40: {  	s22 =	sand.u32 $0x3FFFFFF0, s31;
	v2 =	vxor.u32 v3, v2  }
0x41: {  	s20 =	sadd.s32 $0x10, s20;
	s19 =	sadd.s32 $0x1, s19;
	[tilespmem:s22+$0x18800] =	vst v2  }
0x42: {  	s19 =	simm.s32 $0x0  }
0x43: {  	s20 =	sadd.s32 $0x0, s16;
	v2 =	vor.u32 s19, v1  }
0x44: {  	v3 =	vmov s20  }
0x45: {  	v4 =	vor.u32 s19, v0  }
0x46: {  	s25 =	simm.s32 $0x1  }
0x47: {  	v5 =	vor.u32 s25, v0  }
0x48: {  	s26 =	sadd.s32 $0x1, s16;
	v6 =	vor.u32 s25, v1;
	v2 =	vld.idx.msk [tilespmem:v2+s13+$0x0], $0xffff  }
0x49: {  	v7 =	vmov s26;
	v3 =	vld.idx.msk [tilespmem:v3+s11+$0x0], $0xffff  }
0x4a: {  	s28 =	simm.s32 $0x2;
	v4 =	vld.idx.msk [tilespmem:v4+s13+$0x0], $0xffff  }
0x4b: {  	v8 =	vor.u32 s28, v0  }
0x4c: {  	s29 =	sadd.s32 $0x2, s16;
	v9 =	vor.u32 s28, v1;
	v5 =	vld.idx.msk [tilespmem:v5+s13+$0x0], $0xffff  }
0x4d: {  	v10 =	vmov s29;
	v6 =	vld.idx.msk [tilespmem:v6+s13+$0x0], $0xffff;
	v2 =	vshll.u32 v2, $0x8  }
0x4e: {  	v11 =	vld.idx.msk [tilespmem:v7+s11+$0x0], $0xffff;
	v2 =	vadd.s32 v3, v2  }
0x4f: {  	v4 =	vshll.u32 v4, $0x8  }
0x50: {  	s30 =	simm.s32 $0x3;
	v13 =	vld.idx.msk [tilespmem:v8+s13+$0x0], $0xffff;
	v4 =	vadd.s32 v3, v4  }
0x51: {  	v14 =	vor.u32 s30, v0;
	v7 =	vld.idx.msk [tilespmem:v9+s13+$0x0], $0xffff  }
0x52: {  	v8 =	vld.idx.msk [tilespmem:v10+s11+$0x0], $0xffff;
	v9 =	vor.u32 s30, v1;
	v5 =	vshll.u32 v5, $0x8;
	v10 =	vshll.u32 v6, $0x8  }
0x53: {  	s31 =	sadd.s32 $0x3, s16;
	v6 =	vadd.s32 v11, v5;
	v11 =	vadd.s32 v11, v10;
	v2 =	vld.idx.msk [tilespmem:v2+s2+$0x0], $0xffff  }
0x54: {  	v12 =	vmov s31  }
0x55: {  	v4 =	vld.idx.msk [tilespmem:v4+s2+$0x0], $0xffff  }
0x56: {  	s19 =	simm.s32 $0x4;
	v3 =	vimm.s32 $0x0;
	v10 =	vld.idx.msk [tilespmem:v14+s13+$0x0], $0xffff;
	v5 =	vimm.s32 $0x0  }
.LBB2_7:
0x57: {  	v14 =	vor.u32 s19, v0;
	v13 =	vshll.u32 v13, $0x8;
	v15 =	vmov v7;
	v7 =	vld.idx.msk [tilespmem:v9+s13+$0x0], $0xffff;
	p0 =	sne.s32 s19, $0x1F  }
.Ltmp2:
0x58: {  	v9 =	vor.u32 s19, v1;
	v3 =	vxor.u32 v3, v2;
	v15 =	vshll.u32 v15, $0x8;
	v2 =	vld.idx.msk [tilespmem:v11+s2+$0x0], $0xffff;
	(pc) =	sbr.rel @p0 .LBB2_7-.Ltmp2, $3  }
0x59: {  	s20 =	sadd.s32 s19, s16;
	s19 =	sadd.s32 $0x1, s19;
	v13 =	vadd.s32 v8, v13;
	v11 =	vadd.s32 v8, v15;
	v8 =	vld.idx.msk [tilespmem:v12+s11+$0x0], $0xffff  }
0x5a: {  	v12 =	vmov s20;
	v5 =	vxor.u32 v5, v4;
	v4 =	vld.idx.msk [tilespmem:v6+s2+$0x0], $0xffff;
	v6 =	vmov v13;
	_ =	sdelay $0x1  }
0x5b: {  	v13 =	vmov v10;
	v10 =	vld.idx.msk [tilespmem:v14+s13+$0x0], $0xffff  }
0x5c: {  	_ =	sdelay $0x3  }
0x5d: {  	v9 =	vld.idx.msk [tilespmem:v9+s13+$0x0], $0xffff  }
0x5e: {  	v12 =	vld.idx.msk [tilespmem:v12+s11+$0x0], $0xffff;
	_ =	sdelay $0x1  }
0x5f: {  	v7 =	vshll.u32 v7, $0x8  }
0x60: {  	v13 =	vshll.u32 v13, $0x8;
	v7 =	vadd.s32 v8, v7  }
0x61: {  	v61 =	vadd.s32 v8, v13;
	v10 =	vshll.u32 v10, $0x8  }
0x62: {  	v11 =	vld.idx.msk [tilespmem:v11+s2+$0x0], $0xffff;
	v9 =	vshll.u32 v9, $0x8;
	v10 =	vadd.s32 v12, v10  }
0x63: {  	v6 =	vld.idx.msk [tilespmem:v6+s2+$0x0], $0xffff;
	v9 =	vadd.s32 v12, v9  }
0x64: {  	v62 =	vld [tilespmem:s18+$0x18400]  }
0x65: {  	v7 =	vld.idx.msk [tilespmem:v7+s2+$0x0], $0xffff  }
0x66: {  	v8 =	vld.idx.msk [tilespmem:v61+s2+$0x0], $0xffff  }
0x67: {  	v10 =	vld.idx.msk [tilespmem:v10+s2+$0x0], $0xffff  }
0x68: {  	v9 =	vld.idx.msk [tilespmem:v9+s2+$0x0], $0xffff  }
0x69: {  	v63 =	vld [tilespmem:s18+$0x18410]  }
0x6a: {  	v2 =	vxor.u32 v3, v2;
	v3 =	vxor.u32 v5, v4  }
0x6b: {  	v2 =	vxor.u32 v2, v11;
	v3 =	vxor.u32 v3, v6  }
0x6c: {  	v2 =	vxor.u32 v2, v7;
	v3 =	vxor.u32 v3, v8  }
0x6d: {  	v3 =	vxor.u32 v3, v10;
	v2 =	vxor.u32 v2, v9  }
0x6e: {  	v2 =	vadd.s32 v3, v2;
	v3 =	vadd.s32 v63, v62  }
0x6f: {  	v2 =	vsub.s32 v2, v3  }
0x70: {  	(xrf0) =	vadd.scan.msk.s32 $0xffff, v2;
	_ =	sdelay $0x5  }
0x71: {  	v2, _, _ =	vpop (xrf0)  }
0x72: {  	(v2sf) =	vpush v2, $0xF;
	_ =	sdelay $0xe  }
0x73: {  	s31 =	spop (v2sf)  }
0x74: {  	s18 =	ssub.s32 $0x1, s31  }
0x75: {  	v2 =	vmov s17;
	s17 =	sadd.s32 $0x1, s17;
	p0 =	sgt.s32 s18, $0x0  }
0x76: {  	s18 =	simm.s32 @!p0 $0x0;
	p0 =	sne.s32 s17, $0x20  }
.Ltmp3:
0x77: {  	_ = 	snop;
	(pc) =	sbr.rel @p0 .LBB2_2-.Ltmp3, $3  }
0x78: {  	_ =	sdelay $0x1  }
0x79: {  	v3 =	vmov s18  }
0x7a: {  	s16 =	sadd.s32 $0x20, s16;
	[tilespmem:v2+s14+$0x0] =	vst.idx.msk $0x1, v3  }
0x7b: {  	s15 =	sadd.s32 $0x1, s15  }
0x7c: {  	p0 =	sne.s32 s15, s8  }
.Ltmp4:
0x7d: {  	_ = 	snop;
	(pc) =	sbr.rel @p0 .LBB2_1-.Ltmp4, $4  }
0x7e: {  	[hbm4b:s7+s2] =	stream.linear.scatter [tilespmem:s14], [sflag:$0x1], $0x20, $0x38;
	[tilespmem:$0x18C80] =	vst v63  }
0x7f: {  	_ =	swait.ge [sflag:s9], $0x20  }
0x80: {  	[sflag:s9] =	ssyncset.done $0x0  }
0x81: {  	[sflag:s9] =	ssyncadd.s32 $0xFFFFFFE0  }
0x82: {  	_ =	sfence.sel $0x180000  }
0x83: {  	[bflag:$0x0] =	sbarrier.arrive $0xFFFF  }
0x84: {  	p0 =	sne.s32 s1, $0x0;
	_ =	strace $0x90000047  }
0x85: {  	s0 =	sadd.s32 @!p0 $0x100000, s0;
	[bflag:$0x2] =	sbarrier.arrive $0xFFFF  }
0x86: {  	[sflag:s0] =	ssyncadd.tile.s32 @!p0 $0x1;
	_ =	shalt  }
.Lfunc_end2:
_tile_overlayer_lowered:
.L_overlay_start_2:
0x87: {  	(tag) =	ssettag $0x2  }
0x88: {  	s0 =	rddreg [dreg:$0x0];
	s2 =	stileid.u32  }
0x89: {  	s1 =	rddreg [dreg:$0x1];
	p0 =	sne.s32 s2, $0x0  }
0x8a: {  	s3 =	rddreg [dreg:$0x2];
	[bflag:$0x3] =	sbarrier.arrive $0xFFFF;
	s2 =	simm.s32 @!p0 $0x1C01  }
0x8b: {  	[timem:s3], [sflag:s2] =	dma.local @!p0 [hbm:s0], s1  }
0x8c: {  	s0 =	simm.s32 @!p0 $0x1  }
0x8d: {  	_ =	swait.ge @!p0 [sflag:s0], s1  }
0x8e: {  	s1 =	ssub.s32 @!p0 $0x0, s1;
	[sflag:s0] =	ssyncset.done @!p0 $0x0  }
0x8f: {  	[sflag:s0] =	ssyncadd.s32 @!p0 s1  }
0x90: {  	[bflag:$0x3] =	sbarrier.arrive $0xFFFF  }
0x91: {  	_ =	shalt  }

</sc_bundles>
